<compile_context>
chip_gen: v7x
topology: tpu7x:2x2x1
jax: 0.10.2.dev20260603
libtpu: 0.0.44.dev20260713+nightly
codegen_flags: <defaults>
</compile_context>

<pallas_src>
import jax
import jax.numpy as jnp
from jax import lax
from jax.experimental import pallas as pl
from jax.experimental.pallas import tpu as pltpu

_WPAD = 32


def _body(x_ref, row_ref, col_ref, io_ref, pair_ref, out_ref, comb_ref):
    g = pl.program_id(0)
    bb = pl.program_id(1)
    h, w, d4 = comb_ref.shape[0], comb_ref.shape[1], row_ref.shape[1]

    @pl.when(bb == 0)
    def _build():
        row_b = lax.broadcast_in_dim(row_ref[...], (h, w, d4), (0, 2))
        col_b = lax.broadcast_in_dim(col_ref[...], (h, w, d4), (1, 2))
        io_b = lax.broadcast_in_dim(io_ref[pl.ds(g % 2, 1), :], (h, w, d4), (1, 2))
        pair_b = lax.broadcast_in_dim(pair_ref[pl.ds(g // 2, 1), :], (h, w, d4), (1, 2))
        comb_ref[...] = jnp.concatenate([row_b, col_b, io_b, pair_b], axis=-1)

    out_ref[:, :, :w, :] = x_ref[...] + comb_ref[None]


_BB = 8


def kernel(x, row_table, col_table, io_table, pair_table):
    B, G, H, W, D = x.shape
    padded = pl.pallas_call(
        _body,
        grid=(G, B // _BB),
        in_specs=[
            pl.BlockSpec((_BB, None, H, W, D), lambda g, bb: (bb, g, 0, 0, 0)),
            pl.BlockSpec(row_table.shape, lambda g, bb: (0, 0)),
            pl.BlockSpec(col_table.shape, lambda g, bb: (0, 0)),
            pl.BlockSpec(io_table.shape, lambda g, bb: (0, 0)),
            pl.BlockSpec(pair_table.shape, lambda g, bb: (0, 0)),
        ],
        out_specs=pl.BlockSpec((_BB, None, H, _WPAD, D), lambda g, bb: (bb, g, 0, 0, 0)),
        out_shape=jax.ShapeDtypeStruct((B, G, H, _WPAD, D), x.dtype),
        scratch_shapes=[pltpu.VMEM((H, W, D), jnp.float32)],
        compiler_params=pltpu.CompilerParams(vmem_limit_bytes=120 * 1024 * 1024),
    )(x, row_table, col_table, io_table, pair_table)
    return padded[:, :, :, :W, :]

# --- scband reference (transcript-rebuilt; emitter-appended) ---
"""Pipeline reference for scband-arcpositional-encoding-910533066758 (READ-ONLY COPY).

The authoritative reference and input builder live on the scoring server;
editing this copy changes nothing except your own understanding.
"""

import jax, jax.numpy as jnp
import numpy as np

D_MODEL = 256
GRID_DIM = 30
NUM_TRAIN_PAIRS = 4
B, G, H, W = 16, 9, 30, 30


def setup_inputs(seed: int = 0) -> dict:
    key = jax.random.key(seed)
    k1, k2, k3, k4, k5 = jax.random.split(key, 5)
    d4 = D_MODEL // 4
    return {
        "x": jax.random.normal(k1, (B, G, H, W, D_MODEL), dtype=jnp.float32),
        "row_table": (jax.random.normal(k2, (GRID_DIM, d4), dtype=jnp.float32) * 0.02),
        "col_table": (jax.random.normal(k3, (GRID_DIM, d4), dtype=jnp.float32) * 0.02),
        "io_table": (jax.random.normal(k4, (2, d4), dtype=jnp.float32) * 0.02),
        "pair_table": (jax.random.normal(k5, (NUM_TRAIN_PAIRS + 1, d4), dtype=jnp.float32) * 0.02),
    }


def reference(x, row_table, col_table, io_table, pair_table):
    b, g, h, w, d = x.shape
    row_pos = jnp.broadcast_to(jnp.arange(h)[:, None], (h, w))
    col_pos = jnp.broadcast_to(jnp.arange(w)[None, :], (h, w))
    row_emb = jnp.take(row_table, row_pos, axis=0)
    col_emb = jnp.take(col_table, col_pos, axis=0)
    pos_emb = jnp.concatenate([row_emb, col_emb], axis=-1)
    pos_emb = jnp.broadcast_to(pos_emb[None, None], (b, g, h, w, pos_emb.shape[-1]))
    grid_indices = jnp.arange(g)
    is_output = (grid_indices % 2 == 1).astype(jnp.int32)
    io_emb = jnp.take(io_table, is_output, axis=0)
    pair_indices = grid_indices // 2
    pair_indices = pair_indices.at[-1].set(NUM_TRAIN_PAIRS)
    pair_emb = jnp.take(pair_table, pair_indices, axis=0)
    io_b = jnp.broadcast_to(io_emb[None, :, None, None, :], (b, g, h, w, io_emb.shape[-1]))
    pair_b = jnp.broadcast_to(pair_emb[None, :, None, None, :], (b, g, h, w, pair_emb.shape[-1]))
    combined = jnp.concatenate([pos_emb, io_b, pair_b], axis=-1)
    return x + combined

if __name__ == "__main__":
    import jax
    _d = setup_inputs()
    print(jax.jit(kernel)(*tuple(_d.values())))

</pallas_src>

<mosaic_0001>
module attributes {stable_mosaic.version = 14 : i64} {
  func.func @_body(%arg0: i32, %arg1: i32, %arg2: memref<8x1x30x30x256xf32, #tpu.memory_space<vmem>>, %arg3: memref<30x64xf32, #tpu.memory_space<vmem>>, %arg4: memref<30x64xf32, #tpu.memory_space<vmem>>, %arg5: memref<2x64xf32, #tpu.memory_space<vmem>>, %arg6: memref<5x64xf32, #tpu.memory_space<vmem>>, %arg7: memref<8x1x30x32x256xf32, #tpu.memory_space<vmem>>, %arg8: memref<30x30x256xf32, #tpu.memory_space<vmem>>) attributes {dimension_semantics = [#tpu.dimension_semantics<arbitrary>, #tpu.dimension_semantics<arbitrary>], iteration_bounds = array<i64: 9, 2>, scalar_prefetch = 0 : i64, scratch_operands = 1 : i64, tpu.core_type = #tpu.core_type<tc>, window_params = [{transform_indices = @transform_0, window_bounds = array<i64: 8, 1, 30, 30, 256>}, {pipeline_mode = #tpu.pipeline_mode<synchronous>, transform_indices = @transform_1, window_bounds = array<i64: 30, 64>}, {pipeline_mode = #tpu.pipeline_mode<synchronous>, transform_indices = @transform_2, window_bounds = array<i64: 30, 64>}, {pipeline_mode = #tpu.pipeline_mode<synchronous>, transform_indices = @transform_3, window_bounds = array<i64: 2, 64>}, {pipeline_mode = #tpu.pipeline_mode<synchronous>, transform_indices = @transform_4, window_bounds = array<i64: 5, 64>}, {transform_indices = @transform_5, window_bounds = array<i64: 8, 1, 30, 32, 256>}]} {
    %eq3A = arith.constant 0 : i32
    %eq3A_0 = arith.cmpi eq, %arg1, %eq3A : i32
    %convert_element_type3A = arith.extui %eq3A_0 : i1 to i32
    %cond3A = arith.constant 0 : i32
    %cond3A_1 = arith.cmpi ne, %convert_element_type3A, %cond3A : i32
    scf.if %cond3A_1 {
      %get3A_20 = arith.constant 0 : index
      %get3A_21 = arith.constant 0 : index
      %get3A_22 = vector.load %arg3[%get3A_20, %get3A_21] : memref<30x64xf32, #tpu.memory_space<vmem>>, vector<30x64xf32>
      %broadcast_in_dim3A_23 = vector.shape_cast %get3A_22 : vector<30x64xf32> to vector<30x1x64xf32>
      %broadcast_in_dim3A_24 = vector.broadcast %broadcast_in_dim3A_23 : vector<30x1x64xf32> to vector<30x30x64xf32>
      %get3A_25 = arith.constant 0 : index
      %get3A_26 = arith.constant 0 : index
      %get3A_27 = vector.load %arg4[%get3A_25, %get3A_26] : memref<30x64xf32, #tpu.memory_space<vmem>>, vector<30x64xf32>
      %broadcast_in_dim3A_28 = vector.shape_cast %get3A_27 : vector<30x64xf32> to vector<1x30x64xf32>
      %broadcast_in_dim3A_29 = vector.broadcast %broadcast_in_dim3A_28 : vector<1x30x64xf32> to vector<30x30x64xf32>
      %jit3A = arith.constant 2 : i32
      %eq3A_30 = arith.constant 0 : i32
      %eq3A_31 = arith.cmpi eq, %jit3A, %eq3A_30 : i32
      %jit3A_32 = arith.constant 1 : i32
      %select_n3A = arith.select %eq3A_31, %jit3A_32, %jit3A : i32
      %rem3A = arith.remsi %arg0, %select_n3A : i32
      %ne3A = arith.constant 0 : i32
      %ne3A_33 = arith.cmpi ne, %rem3A, %ne3A : i32
      %lt3A = arith.constant 0 : i32
      %lt3A_34 = arith.cmpi slt, %rem3A, %lt3A : i32
      %lt3A_35 = arith.constant 0 : i32
      %lt3A_36 = arith.cmpi slt, %select_n3A, %lt3A_35 : i32
      %ne3A_37 = arith.xori %lt3A_34, %lt3A_36 : i1
      %and3A = arith.andi %ne3A_37, %ne3A_33 : i1
      %add3A_38 = arith.addi %rem3A, %select_n3A : i32
      %select_n3A_39 = arith.select %and3A, %add3A_38, %rem3A : i32
      %get3A_40 = arith.index_cast %select_n3A_39 : i32 to index
      %get3A_41 = arith.constant 0 : index
      %get3A_42 = vector.load %arg5[%get3A_40, %get3A_41] : memref<2x64xf32, #tpu.memory_space<vmem>>, vector<1x64xf32>
      %broadcast_in_dim3A_43 = vector.shape_cast %get3A_42 : vector<1x64xf32> to vector<1x1x64xf32>
      %broadcast_in_dim3A_44 = vector.broadcast %broadcast_in_dim3A_43 : vector<1x1x64xf32> to vector<30x30x64xf32>
      %jit3A_45 = arith.constant 2 : i32
      %div3A = arith.divsi %arg0, %jit3A_45 : i32
      %sign3A = arith.constant 0 : i32
      %sign3A_46 = arith.cmpi sgt, %arg0, %sign3A : i32
      %sign3A_47 = arith.extui %sign3A_46 : i1 to i32
      %sign3A_48 = arith.constant 0 : i32
      %sign3A_49 = arith.cmpi slt, %arg0, %sign3A_48 : i32
      %sign3A_50 = arith.extui %sign3A_49 : i1 to i32
      %sign3A_51 = arith.subi %sign3A_47, %sign3A_50 : i32
      %sign3A_52 = arith.constant 0 : i32
      %sign3A_53 = arith.cmpi sgt, %jit3A_45, %sign3A_52 : i32
      %sign3A_54 = arith.extui %sign3A_53 : i1 to i32
      %sign3A_55 = arith.constant 0 : i32
      %sign3A_56 = arith.cmpi slt, %jit3A_45, %sign3A_55 : i32
      %sign3A_57 = arith.extui %sign3A_56 : i1 to i32
      %sign3A_58 = arith.subi %sign3A_54, %sign3A_57 : i32
      %ne3A_59 = arith.cmpi ne, %sign3A_51, %sign3A_58 : i32
      %rem3A_60 = arith.remsi %arg0, %jit3A_45 : i32
      %ne3A_61 = arith.constant 0 : i32
      %ne3A_62 = arith.cmpi ne, %rem3A_60, %ne3A_61 : i32
      %and3A_63 = arith.andi %ne3A_59, %ne3A_62 : i1
      %sub3A = arith.constant 1 : i32
      %sub3A_64 = arith.subi %div3A, %sub3A : i32
      %select_n3A_65 = arith.select %and3A_63, %sub3A_64, %div3A : i32
      %get3A_66 = arith.index_cast %select_n3A_65 : i32 to index
      %get3A_67 = arith.constant 0 : index
      %get3A_68 = vector.load %arg6[%get3A_66, %get3A_67] : memref<5x64xf32, #tpu.memory_space<vmem>>, vector<1x64xf32>
      %broadcast_in_dim3A_69 = vector.shape_cast %get3A_68 : vector<1x64xf32> to vector<1x1x64xf32>
      %broadcast_in_dim3A_70 = vector.broadcast %broadcast_in_dim3A_69 : vector<1x1x64xf32> to vector<30x30x64xf32>
      %concatenate3A = tpu.concatenate %broadcast_in_dim3A_24, %broadcast_in_dim3A_29, %broadcast_in_dim3A_44, %broadcast_in_dim3A_70 in 2 : vector<30x30x64xf32>, vector<30x30x64xf32>, vector<30x30x64xf32>, vector<30x30x64xf32> -> vector<30x30x256xf32>
      %swap3A_71 = arith.constant 0 : index
      %swap3A_72 = arith.constant 0 : index
      %swap3A_73 = arith.constant 0 : index
      %swap3A_74 = vector.load %arg8[%swap3A_71, %swap3A_72, %swap3A_73] : memref<30x30x256xf32, #tpu.memory_space<vmem>>, vector<30x30x256xf32>
      tpu.vector_store %arg8[%swap3A_71, %swap3A_72, %swap3A_73], %concatenate3A {strides = array<i32>} : memref<30x30x256xf32, #tpu.memory_space<vmem>>, vector<30x30x256xf32>,
    } else {
    }
    %get3A = arith.constant 0 : index
    %get3A_2 = arith.constant 0 : index
    %get3A_3 = arith.constant 0 : index
    %get3A_4 = arith.constant 0 : index
    %get3A_5 = arith.constant 0 : index
    %get3A_6 = vector.load %arg2[%get3A, %get3A_2, %get3A_3, %get3A_4, %get3A_5] : memref<8x1x30x30x256xf32, #tpu.memory_space<vmem>>, vector<8x1x30x30x256xf32>
    %get3A_7 = vector.shape_cast %get3A_6 : vector<8x1x30x30x256xf32> to vector<8x30x30x256xf32>
    %get3A_8 = arith.constant 0 : index
    %get3A_9 = arith.constant 0 : index
    %get3A_10 = arith.constant 0 : index
    %get3A_11 = vector.load %arg8[%get3A_8, %get3A_9, %get3A_10] : memref<30x30x256xf32, #tpu.memory_space<vmem>>, vector<30x30x256xf32>
    %broadcast_in_dim3A = vector.shape_cast %get3A_11 : vector<30x30x256xf32> to vector<1x30x30x256xf32>
    %add3A = vector.broadcast %broadcast_in_dim3A : vector<1x30x30x256xf32> to vector<8x30x30x256xf32>
    %add3A_12 = arith.addf %get3A_7, %add3A : vector<8x30x30x256xf32>
    %swap3A = arith.constant 0 : index
    %swap3A_13 = arith.constant 0 : index
    %swap3A_14 = arith.constant 0 : index
    %swap3A_15 = arith.constant 0 : index
    %swap3A_16 = arith.constant 0 : index
    %swap3A_17 = vector.load %arg7[%swap3A, %swap3A_13, %swap3A_14, %swap3A_15, %swap3A_16] : memref<8x1x30x32x256xf32, #tpu.memory_space<vmem>>, vector<8x1x30x30x256xf32>
    %swap3A_18 = vector.shape_cast %swap3A_17 : vector<8x1x30x30x256xf32> to vector<8x30x30x256xf32>
    %swap3A_19 = vector.shape_cast %add3A_12 : vector<8x30x30x256xf32> to vector<8x1x30x30x256xf32>
    tpu.vector_store %arg7[%swap3A, %swap3A_13, %swap3A_14, %swap3A_15, %swap3A_16], %swap3A_19 {strides = array<i32>} : memref<8x1x30x32x256xf32, #tpu.memory_space<vmem>>, vector<8x1x30x30x256xf32>,
    return
  }
  func.func @transform_0(%arg0: i32, %arg1: i32) -> (i32, i32, i32, i32, i32) {
    %c0_i32 = arith.constant 0 : i32
    %c0_i32_0 = arith.constant 0 : i32
    %c0_i32_1 = arith.constant 0 : i32
    %c0_i32_2 = arith.constant 0 : i32
    return %arg1, %arg0, %c0_i32, %c0_i32_0, %c0_i32_1 : i32, i32, i32, i32, i32
  }
  func.func @transform_1(%arg0: i32, %arg1: i32) -> (i32, i32) {
    %c0_i32 = arith.constant 0 : i32
    %c0_i32_0 = arith.constant 0 : i32
    %c0_i32_1 = arith.constant 0 : i32
    return %c0_i32, %c0_i32_0 : i32, i32
  }
  func.func @transform_2(%arg0: i32, %arg1: i32) -> (i32, i32) {
    %c0_i32 = arith.constant 0 : i32
    %c0_i32_0 = arith.constant 0 : i32
    %c0_i32_1 = arith.constant 0 : i32
    return %c0_i32, %c0_i32_0 : i32, i32
  }
  func.func @transform_3(%arg0: i32, %arg1: i32) -> (i32, i32) {
    %c0_i32 = arith.constant 0 : i32
    %c0_i32_0 = arith.constant 0 : i32
    %c0_i32_1 = arith.constant 0 : i32
    return %c0_i32, %c0_i32_0 : i32, i32
  }
  func.func @transform_4(%arg0: i32, %arg1: i32) -> (i32, i32) {
    %c0_i32 = arith.constant 0 : i32
    %c0_i32_0 = arith.constant 0 : i32
    %c0_i32_1 = arith.constant 0 : i32
    return %c0_i32, %c0_i32_0 : i32, i32
  }
  func.func @transform_5(%arg0: i32, %arg1: i32) -> (i32, i32, i32, i32, i32) {
    %c0_i32 = arith.constant 0 : i32
    %c0_i32_0 = arith.constant 0 : i32
    %c0_i32_1 = arith.constant 0 : i32
    %c0_i32_2 = arith.constant 0 : i32
    return %arg1, %arg0, %c0_i32, %c0_i32_0, %c0_i32_1 : i32, i32, i32, i32, i32
  }
}

</mosaic_0001>

<sc_bundles>
// kernel: sparse-core-data-format-call.cloned.1.call-start
scs
called_computation_lowered:
.L_overlay_start_0:
0x0: {  	s2 =	sld [smem:$0x3FD9]  }
0x1: {  	s3 =	sld [smem:$0x3FFE];
	_ =	sdelay $0x1  }
0x2: {  	s1 =	srdreg.scid  }
0x3: {  	s0 =	sand.u32 $0x1, s1  }
0x4: {  	s18 =	sshll.u32 s0, $0xA;
	s2 =	sadd.s32 s3, s2  }
0x5: {  	s2 =	sadd.s32 s2, s18  }
0x6: {  	[smem:$0x3FC3] =	sst s2  }
0x7: {  	_ = 	snop  }
0x8: {  	s2 =	sld [smem:$0x3FD0];
	(tm) =	ssettm $0x1  }
0x9: {  	s19 =	sld [smem:$0x3FFB];
	_ =	sdelay $0x3  }
0xa: {  	_ =	strace s19  }
0xb: {  	s3 =	sld [smem:$0x3FFC];
	_ =	sdelay $0x3  }
0xc: {  	_ =	strace s3  }
0xd: {  	s3 =	sld [smem:$0x3FFD];
	_ =	sdelay $0x3  }
0xe: {  	_ =	strace s3  }
0xf: {  	_ =	strace $0x8FFFFFFF  }
0x10: {  	s20 =	sld [smem:$0x3FDB];
	_ =	sdelay $0x1  }
0x11: {  	s4 =	simm.s32 $_scs_section_size  }
0x12: {  	s5 =	simm.s32 $_size__tile_overlayer_lowered;
	s6 =	simm.s32 $_tile_overlayer_lowered  }
0x13: {  	s23 =	simm.s32 $0x1BFF;
	s22 =	sshll.u32 s6, $0x1;
	s3 =	sadd.s32 s4, s20  }
0x14: {  	s7 =	simm.s32 $0x0;
	s21 =	sshll.u32 s5, $0x1;
	s5 =	sadd.s32 s22, s3  }
0x15: {  	[timem:s7], [sflag:s23] =	dma.local [hbm:s5], s21  }
0x16: {  	_ =	swait.ge [sflag:s23], s21  }
0x17: {  	s4 =	ssub.s32 $0x0, s21;
	[sflag:s23] =	ssyncset.done $0x0  }
0x18: {  	[sflag:s23] =	ssyncadd.s32 s4;
	_ =	sdelay $0x1  }
0x19: {  	s24 =	simm.s32 $0x1B8B  }
0x1a: {  	_ =	swait.ge [sflag:s24], $0x1  }
0x1b: {  	[sflag:s24] =	ssyncset.done $0x0  }
0x1c: {  	s26 =	simm.s32 $0x1B8E;
	s25 =	sld [smem:$0x3FFE];
	[sflag:s24] =	ssyncadd.s32 $0xFFFFFFFF  }
0x1d: {  	s27 =	simm.s32 $execute0_lowered;
	[smem:$0x3FD2] =	sst s26  }
0x1e: {  	s5 =	sshll.u32 s27, $0x1;
	_ =	strace $0x80000046;
	[dreg:$0x1] =	wrdreg $0xFFFFFFFF  }
0x1f: {  	s28 =	simm.s32 $_size_execute0_lowered;
	s3 =	sadd.s32 s3, s5;
	[dreg:$0x0] =	wrdreg $0x0  }
0x20: {  	s5 =	sshll.u32 s28, $0x1;
	[dreg:$0x2] =	wrdreg s3  }
0x21: {  	[dreg:$0x3] =	wrdreg s5  }
0x22: {  	[dreg:$0x4] =	wrdreg $0xC0  }
0x23: {  	_ =	task [dreg:s7], $0x5FFFF  }
0x24: {  	[dreg:$0x1] =	wrdreg $0xFFFFFFFF  }
0x25: {  	[dreg:$0x0] =	wrdreg $0x60  }
0x26: {  	[dreg:$0x2] =	wrdreg s25  }
0x27: {  	[dreg:$0x3] =	wrdreg s2  }
0x28: {  	[dreg:$0x4] =	wrdreg $0x9  }
0x29: {  	_ =	task.clear_ibuf [dreg:s7], $0x5FFFF;
	_ =	strace $0x90000046  }
0x2a: {  	s29 =	simm.s32 $0x9;
	_ =	strace $0x80000048  }
0x2b: {  	_ =	swait.ge [sflag:s29], $0x1  }
0x2c: {  	[sflag:s29] =	ssyncadd.s32 $0xFFFFFFFF  }
0x2d: {  	_ =	strace $0x90000048  }
0x2e: {  	_ =	sfence  }
0x2f: {  	s30 =	sld [smem:$0x0];
	_ =	sdelay $0x2  }
0x30: {  	s31 =	sshll.u32 s1, $0xD;
	s1 =	sshrl.u32 s1, $0x2  }
0x31: {  	s3 =	sand.u32 $0x4000, s31;
	s1 =	sadd.s32 s1, s30  }
0x32: {  	s0 =	sor.u32 s3, s0;
	s1 =	sshll.u32 s1, $0x11  }
0x33: {  	s0 =	sor.u32 s1, s0  }
0x34: {  	s0 =	sadd.s32 $0x8F2B, s0  }
0x35: {  	[sflag:s0] =	ssyncadd.remote.s32 $0x1  }
0x36: {  	_ =	sfence.sel $0xFFFF  }
0x37: {  	[dreg:$0x0] =	wrdreg $0xFFFFFFFF;
	(pc) =	sbr.abs _section_cstart, $3  }
0x38: {  	[dreg:$0x1] =	wrdreg $0xFFFFFFFF  }
0x39: {  	_ =	task.clear_ibuf [dreg:s7], $0x2FFFF;
	_ =	strace $0x9FFFFFFF  }
0x3a: {  	(tm) =	ssettm $0x7FFFFFFF  }
0x3b: {  	_ =	shalt  }
tec
execute0_lowered:
.L_overlay_start_1:
0x0: {  	(tag) =	ssettag $0x1  }
0x1: {  	s7 =	stileid.u32;
	s0 =	rddreg [dreg:$0x0]  }
0x2: {  	s25 =	srdreg.scid;
	_ =	strace $0x80000047;
	s29 =	simm.s32 $0x1  }
0x3: {  	s31 =	simm.s32 $0x2;
	s22 =	simm.s32 $0x0;
	s12 =	simm.s32 $0x0  }
0x4: {  	s21 =	simm.s32 $0x0;
	s24 =	simm.s32 $0x0;
	s1 =	sshll.u32 s7, $0x3  }
0x5: {  	s23 =	simm.s32 $0x0;
	s13 =	simm.s32 $0x0;
	s11 =	sand.u32 $0x8, s1  }
0x6: {  	s14 =	simm.s32 $0x0;
	s3 =	sshrl.u32 s7, $0x1;
	s5 =	ssub.s32 $0x10, s11  }
0x7: {  	s15 =	simm.s32 $0x0;
	s4 =	sand.u32 $0x3, s3;
	s26 =	sshrl.u32 s5, $0x3  }
0x8: {  	s6 =	ssub.s32 $0x21, s4;
	s5 =	sshrl.u32 s5, $0x4;
	s3 =	sand.u32 $0x1, s26  }
0x9: {  	s16 =	simm.s32 $0x0;
	s6 =	sshrl.u32 s6, $0x2;
	s3 =	sadd.s32 s5, s3  }
0xa: {  	s18 =	simm.s32 $0x0;
	s1 =	sshll.u32 s25, $0x4;
	s27 =	smul.u32 s3, s6  }
.Ltmp0:
0xb: {  	s20 =	simm.s32 $0x0;
	s1 =	sor.u32 s7, s1;
	(pc) =	sbr.rel .LBB1_1-.Ltmp0, $4  }
0xc: {  	s30 =	simm.s32 $0x0;
	[sflag:s29] =	ssyncpa.u1 $0x0;
	s5 =	sand.u32 $0x18, s1  }
0xd: {  	[sflag:s31] =	ssyncpa.u1 $0x0;
	s28 =	sshll.u32 s5, $0x5;
	s7 =	smul.u32 $0x9, s27  }
0xe: {  	s17 =	smov.u32 s4;
	s19 =	smov.u32 s11;
	s0 =	sadd.s32 s28, s0  }
0xf: {  	[dreg:$0x3] =	wrdreg s4;
	s9 =	sadd.s32 $0x438400, s0;
	s2 =	sadd.s32 $0x1, s7  }
.LBB1_7:
0x10: {  	p0 =	slt.u32 s20, $0x2;
	s0 =	smov.u32 s24  }
0x11: {  	s3 =	smov.u32 s23;
	p1 =	sgt.s32 @!p0 s24, $0x8;
	s1 =	sshra.s32 @!p0 s24, $0x1F  }
0x12: {  	s6 =	sshra.s32 @!p0 s23, $0x1F;
	p3 =	sgt.s32 @!p0 s22, $0x16;
	p1 =	por !p1, p0  }
0x13: {  	s1 =	sand.u32 @!p0 s1, s24;
	p3 =	por !p3, p0;
	s0 =	simm.s32 @p1 $0x8  }
0x14: {  	p1 =	sgt.s32 @!p0 s23, $0x8;
	s22 =	simm.s32 @p3 $0x16;
	s0 =	ssub.s32 @!p0 s0, s1  }
0x15: {  	p2 =	por !p1, p0;
	s8 =	sshll.u32 @!p0 s22, $0x8;
	s1 =	sadd.s32 @!p0 $0xFFFFFFF8, s0  }
0x16: {  	s3 =	simm.s32 @p2 $0x8;
	p1 =	sgt.s32 @!p0 s1, $0x0;
	s1 =	sand.u32 @!p0 s6, s23  }
0x17: {  	p2 =	sgt.s32 @!p0 s21, $0x1D;
	s0 =	ssub.s32 @!p0 $0x9, s0;
	s1 =	ssub.s32 @!p0 s3, s1  }
0x18: {  	p2 =	por !p2, p0;
	s3 =	smov.u32 s21;
	s6 =	sadd.s32 @!p0 $0xFFFFFFF8, s1  }
0x19: {  	s3 =	simm.s32 @p2 $0x1D;
	p2 =	sgt.s32 @!p0 s6, $0x7;
	s6 =	sshra.s32 @!p0 s21, $0x1F  }
0x1a: {  	s1 =	ssub.s32 @!p0 $0x10, s1;
	p2 =	por !p2, p0;
	s6 =	sand.u32 @!p0 s6, s21  }
0x1b: {  	s1 =	simm.s32 @!p2 $0x0;
	s3 =	ssub.s32 @!p0 s3, s6;
	s6 =	ssub.s32 @!p0 $0x1E00, s8  }
0x1c: {  	p1 =	por !p1, p0;
	s8 =	sadd.s32 @!p0 $0xFFFFFFE3, s3;
	s1 =	smul.u32 @!p0 s1, s6  }
0x1d: {  	s0 =	simm.s32 @!p1 $0x0;
	p1 =	sgt.s32 @!p0 s8, $0x0  }
0x1e: {  	s3 =	ssub.s32 @!p0 $0x1E, s3;
	p1 =	por !p1, p0;
	s0 =	smul.u32 @!p0 s0, s1  }
0x1f: {  	s1 =	sadd.s32 $0x4, s17;
	s3 =	simm.s32 @!p1 $0x0  }
0x20: {  	p1 =	sgt.s32 s1, $0x1D;
	s0 =	smul.u32 @!p0 s3, s0;
	s3 =	simm.s32 $0x1  }
0x21: {  	s10 =	smov.u32 s19;
	s3 =	simm.s32 @!p1 $0x0  }
0x22: {  	s31 =	sadd.s32 $0x1, s20;
	s12 =	sadd.s32 $0x4000, s12;
	s3 =	sadd.s32 s3, s18  }
0x23: {  	s8 =	sadd.s32 $0x10, s19;
	s1 =	smov.u32 @p1 s4;
	p1 =	sgt.s32 s3, $0x8  }
0x24: {  	s24 =	smov.u32 s15;
	s15 =	smov.u32 s18;
	s10 =	smov.u32 @p1 s8  }
0x25: {  	s22 =	smov.u32 s13;
	s3 =	simm.s32 @p1 $0x0;
	p1 =	sgt.s32 s10, $0xF  }
0x26: {  	s13 =	smov.u32 s5;
	s10 =	smov.u32 @p1 s11;
	p1 =	sne.s32 s20, s2  }
.Ltmp1:
0x27: {  	s6 =	simm.s32 @!p0 $0x2;
	s0 =	sand.u32 @!p0 $0x3FFFFF00, s0;
	(pc) =	sbr.rel @!p1 .LBB1_8-.Ltmp1, $4  }
0x28: {  	s23 =	smov.u32 s16;
	s16 =	smov.u32 s19;
	_ =	swait.ge @!p0 [sflag:s6], s0  }
0x29: {  	s21 =	smov.u32 s14;
	s0 =	ssub.s32 @!p0 $0x0, s0;
	[sflag:s6] =	ssyncset.done @!p0 $0x0  }
0x2a: {  	s14 =	smov.u32 s17;
	s17 =	smov.u32 s1;
	[sflag:s6] =	ssyncadd.s32 @!p0 s0  }
0x2b: {  	s18 =	smov.u32 s3;
	s20 =	smov.u32 s31;
	s19 =	smov.u32 s10  }
.LBB1_1:
0x2c: {  	p0 =	sge.u32 s20, s7  }
0x2d: {  	s0 =	smul.u32 @!p0 $0x43800, s19  }
0x2e: {  	s1 =	sxor.u32 @!p0 $0xFFFFFFFF, s20;
	s3 =	smul.u32 @!p0 $0x7800, s18  }
0x2f: {  	s31 =	sadd.s32 $0xFFFFFFFF, s20;
	s1 =	sshll.u32 @!p0 s1, $0xE;
	s0 =	sadd.s32 @!p0 s0, s9  }
0x30: {  	s6 =	sshll.u32 @!p0 s17, $0xA;
	s1 =	sand.u32 @!p0 $0x4000, s1;
	s0 =	sadd.s32 @!p0 s3, s0  }
0x31: {  	s3 =	simm.s32 @!p0 $0x800;
	s0 =	sadd.s32 @!p0 s6, s0;
	s6 =	simm.s32 @!p0 $0x21C000  }
0x32: {  	[tilespmem:s1], [sflag:$0x1] =	stream.strided.gather @!p0 [hbm4b:s0+s3], $0x4000, s6, s3, $0x38;
	[tilespmem:$0x10000] =	vst v63  }
0x33: {  	p0 =	sge.u32 s31, s7  }
.Ltmp2:
0x34: {  	_ = 	snop;
	(pc) =	sbr.rel @p0 .LBB1_7-.Ltmp2, $1  }
0x35: {  	_ =	sdelay $0x3  }
0x36: {  	s4 =	smov.u32 s5;
	s5 =	smov.u32 s11;
	s0 =	sshll.u32 s12, $0x2  }
0x37: {  	s3 =	simm.s32 $0x1;
	s1 =	sshll.u32 s20, $0xE;
	p0 =	por $0x0, $0x0  }
0x38: {  	s31 =	simm.s32 $0x0;
	s0 =	sand.u32 $0x10000, s0;
	_ =	swait.ge [sflag:s3], $0x4000  }
0x39: {  	s28 =	sand.u32 $0x4000, s1;
	s0 =	sshrl.u32 s0, $0x2;
	[sflag:s3] =	ssyncset.done $0x0  }
0x3a: {  	s25 =	sor.u32 $0x8000, s28;
	s26 =	sor.u32 $0x40, s0;
	s10 =	sor.u32 $0x8410, s0  }
0x3b: {  	[sflag:s3] =	ssyncadd.s32 $0xFFFFC000;
	s29 =	sadd.s32 $0x8400, s0;
	s3 =	simm.s32 $0x0  }
.LBB1_3:
0x3c: {  	v1 =	vld [tilespmem:s26+$0xFFFFFFD0]  }
0x3d: {  	v2 =	vld [tilespmem:s26+$0x430]  }
0x3e: {  	s0 =	sshll.u32 s3, $0xB;
	v4 =	vld [tilespmem:s26+$0xFFFFFFE0]  }
0x3f: {  	v7 =	vld [tilespmem:s26+$0xFFFFFFF0];
	v0 =	vmov s0  }
0x40: {  	v8 =	vld [tilespmem:s26+$0x0]  }
0x41: {  	s8 =	sand.u32 $0x300, s30;
	v9 =	vld [tilespmem:s26+$0x10]  }
0x42: {  	s1 =	sand.u32 $0x80, s30;
	v10 =	vld [tilespmem:s26+$0x20];
	s0 =	sadd.s32 s8, s28  }
0x43: {  	v11 =	vld [tilespmem:s26+$0x30];
	s0 =	sadd.s32 s1, s0;
	s1 =	simm.s32 $0x1;
	[tilespmem:s10+$0x60] =	vst v2  }
0x44: {  	s11 =	sshll.u32 s31, $0x2;
	s1 =	simm.s32 @!p0 $0x0;
	[tilespmem:s10+$0xFFFFFC00] =	vst v1;
	v3 =	vld.idx.msk [tilespmem:v0+s0+$0x400 ss:$0x1], $0xffff  }
0x45: {  	v6 =	vld [tilespmem:s26+$0x3D0];
	s1 =	sshll.u32 s1, $0x9;
	[tilespmem:s10+$0xFFFFFC10] =	vst v4;
	s0 =	sand.u32 $0xFFFFFC00, s11  }
0x46: {  	v5 =	vld [tilespmem:s26+$0x3E0];
	[tilespmem:s10+$0xFFFFFC20] =	vst v7;
	s0 =	sor.u32 s1, s0  }
0x47: {  	[tilespmem:s10+$0xFFFFFC30] =	vst v8;
	v4 =	vld [tilespmem:s26+$0x400];
	s0 =	sshrl.u32 s0, $0x2  }
0x48: {  	[tilespmem:s10+$0xFFFFFC40] =	vst v9;
	v1 =	vld [tilespmem:s26+$0x410];
	s0 =	sadd.s32 s0, s29  }
0x49: {  	[tilespmem:s0+$0x0] =	vst v3;
	v3 =	vld [tilespmem:s26+$0x3F0]  }
0x4a: {  	s6 =	simm.s32 $0x80;
	s27 =	smov.u32 s10;
	[tilespmem:s10+$0xFFFFFC50] =	vst v10;
	v2 =	vld [tilespmem:s26+$0x420]  }
0x4b: {  	s8 =	sand.u32 $0x300, s6;
	v7 =	vld [tilespmem:s26+$0xFFFFFFC0];
	[tilespmem:s10+$0xFFFFFC60] =	vst v11;
	s11 =	simm.s32 $0x100;
	s1 =	sadd.s32 $0x80, s26  }
.LBB1_4:
0x4c: {  	p1 =	sne.s32 s11, $0x380;
	v8 =	vld [tilespmem:s1+$0xFFFFFFD0];
	s6 =	sand.u32 $0x80, s6;
	s8 =	sadd.s32 s8, s28;
	[tilespmem:s27+$0x0] =	vst v6  }
0x4d: {  	s8 =	sadd.s32 s6, s8;
	v6 =	vld [tilespmem:s1+$0x430];
	[tilespmem:s27+$0x10] =	vst v5;
	s6 =	smov.u32 s11  }
0x4e: {  	v5 =	vld.idx.msk [tilespmem:v0+s8+$0x400 ss:$0x1], $0xffff;
	[tilespmem:s27+$0x20] =	vst v3  }
0x4f: {  	v3 =	vld [tilespmem:s1+$0xFFFFFFE0];
	[tilespmem:s27+$0x30] =	vst v4  }
0x50: {  	v4 =	vld [tilespmem:s1+$0xFFFFFFF0];
	[tilespmem:s27+$0xFFFFFBF0] =	vst v7  }
0x51: {  	v7 =	vld [tilespmem:s1+$0x0];
	[tilespmem:s27+$0x40] =	vst v1  }
0x52: {  	v1 =	vld [tilespmem:s1+$0x10];
	[tilespmem:s27+$0x50] =	vst v2;
	s27 =	sadd.s32 $0x800, s27  }
0x53: {  	s0 =	sadd.s32 $0x800, s0;
	v2 =	vld [tilespmem:s1+$0x20];
	[tilespmem:s27+$0x60] =	vst v6  }
0x54: {  	v9 =	vld [tilespmem:s1+$0x30];
	[tilespmem:s0+$0x0] =	vst v5  }
0x55: {  	[tilespmem:s27+$0xFFFFFC00] =	vst v8;
	v6 =	vld [tilespmem:s1+$0x3D0]  }
0x56: {  	[tilespmem:s27+$0xFFFFFC10] =	vst v3;
	v5 =	vld [tilespmem:s1+$0x3E0]  }
.Ltmp3:
0x57: {  	[tilespmem:s27+$0xFFFFFC20] =	vst v4;
	v3 =	vld [tilespmem:s1+$0x3F0];
	(pc) =	sbr.rel @p1 .LBB1_4-.Ltmp3, $4  }
0x58: {  	[tilespmem:s27+$0xFFFFFC30] =	vst v7;
	v4 =	vld [tilespmem:s1+$0x400]  }
0x59: {  	[tilespmem:s27+$0xFFFFFC40] =	vst v1;
	v1 =	vld [tilespmem:s1+$0x410]  }
0x5a: {  	[tilespmem:s27+$0xFFFFFC50] =	vst v2;
	v2 =	vld [tilespmem:s1+$0x420]  }
0x5b: {  	s11 =	sadd.s32 $0x80, s11;
	s8 =	sand.u32 $0x300, s6;
	v7 =	vld [tilespmem:s1+$0xFFFFFFC0];
	[tilespmem:s27+$0xFFFFFC60] =	vst v9;
	s1 =	sadd.s32 $0x80, s1  }
0x5c: {  	[tilespmem:s27+$0x0] =	vst v6  }
0x5d: {  	[tilespmem:s27+$0x10] =	vst v5  }
0x5e: {  	v49 =	vld [tilespmem:s1+$0x430];
	[tilespmem:s27+$0x20] =	vst v3  }
0x5f: {  	v50 =	vld [tilespmem:s1+$0xFFFFFFD0];
	[tilespmem:s27+$0x30] =	vst v4  }
0x60: {  	v51 =	vld [tilespmem:s1+$0xFFFFFFE0];
	[tilespmem:s27+$0x40] =	vst v1  }
0x61: {  	v52 =	vld [tilespmem:s1+$0xFFFFFFF0];
	[tilespmem:s27+$0x50] =	vst v2  }
0x62: {  	v53 =	vld [tilespmem:s1+$0x0];
	[tilespmem:s27+$0xFFFFFBF0] =	vst v7;
	s27 =	sadd.s32 $0x800, s27  }
0x63: {  	v54 =	vld [tilespmem:s1+$0x10];
	[tilespmem:s27+$0x60] =	vst v49  }
0x64: {  	v55 =	vld [tilespmem:s1+$0x20];
	[tilespmem:s27+$0xFFFFFC00] =	vst v50  }
0x65: {  	v56 =	vld [tilespmem:s1+$0x30];
	[tilespmem:s27+$0xFFFFFC10] =	vst v51  }
0x66: {  	v57 =	vld [tilespmem:s1+$0x3D0];
	[tilespmem:s27+$0xFFFFFC20] =	vst v52  }
0x67: {  	v58 =	vld [tilespmem:s1+$0x3E0];
	[tilespmem:s27+$0xFFFFFC30] =	vst v53  }
0x68: {  	v59 =	vld [tilespmem:s1+$0x3F0];
	[tilespmem:s27+$0xFFFFFC40] =	vst v54  }
0x69: {  	v60 =	vld [tilespmem:s1+$0x400];
	[tilespmem:s27+$0xFFFFFC50] =	vst v55  }
0x6a: {  	v61 =	vld [tilespmem:s1+$0xFFFFFFC0];
	[tilespmem:s27+$0xFFFFFC60] =	vst v56  }
0x6b: {  	s6 =	sand.u32 $0x80, s6;
	s8 =	sadd.s32 s8, s28;
	v62 =	vld [tilespmem:s1+$0x410];
	[tilespmem:s27+$0x0] =	vst v57  }
0x6c: {  	v63 =	vld [tilespmem:s1+$0x420];
	s3 =	sadd.s32 $0x1, s3;
	s6 =	sadd.s32 s6, s8;
	[tilespmem:s27+$0x10] =	vst v58  }
0x6d: {  	p1 =	sne.s32 s3, $0x8;
	v0 =	vld.idx.msk [tilespmem:v0+s6+$0x400 ss:$0x1], $0xffff;
	[tilespmem:s27+$0x20] =	vst v59  }
.Ltmp4:
0x6e: {  	[tilespmem:s27+$0x30] =	vst v60;
	(pc) =	sbr.rel @p1 .LBB1_3-.Ltmp4, $4  }
0x6f: {  	[tilespmem:s27+$0xFFFFFBF0] =	vst v61  }
0x70: {  	[tilespmem:s27+$0x40] =	vst v62  }
0x71: {  	s0 =	sadd.s32 $0x800, s0;
	s26 =	sadd.s32 $0x800, s26;
	[tilespmem:s27+$0x50] =	vst v63  }
0x72: {  	s31 =	sadd.s32 $0x80, s31;
	p0 =	por !p0, !p0;
	s10 =	sadd.s32 $0x80, s10;
	[tilespmem:s0+$0x0] =	vst v0  }
0x73: {  	p0 =	sgt.s32 s15, $0x8;
	s0 =	smov.u32 s15  }
0x74: {  	s1 =	sshra.s32 s15, $0x1F;
	s3 =	smov.u32 s16;
	s6 =	sshra.s32 s16, $0x1F  }
0x75: {  	s28 =	sshra.s32 s14, $0x1F;
	s29 =	sshll.u32 s16, $0x8;
	s31 =	smul.u32 $0x70800, s15  }
0x76: {  	s11 =	sshll.u32 s16, $0x7;
	s10 =	smul.u32 $0x3C00, s14;
	s0 =	simm.s32 @!p0 $0x8  }
0x77: {  	p0 =	sgt.s32 s16, $0x8;
	s1 =	sand.u32 s1, s15;
	s6 =	sand.u32 s6, s16  }
0x78: {  	s26 =	sand.u32 $0x380, s11;
	s11 =	smov.u32 s5;
	s5 =	smov.u32 s4  }
0x79: {  	s4 =	rddreg [dreg:$0x3];
	s3 =	simm.s32 @!p0 $0x8;
	s0 =	ssub.s32 s0, s1  }
0x7a: {  	p0 =	sgt.s32 s14, $0x1D;
	s1 =	smov.u32 s14;
	s3 =	ssub.s32 s3, s6  }
0x7b: {  	s1 =	simm.s32 @!p0 $0x1D;
	p0 =	sgt.s32 s13, $0x16;
	s6 =	smov.u32 s13  }
0x7c: {  	s27 =	sadd.s32 $0xFFFFFFF8, s0;
	s0 =	ssub.s32 $0x9, s0;
	s8 =	sadd.s32 $0xFFFFFFF8, s3  }
0x7d: {  	s6 =	simm.s32 @!p0 $0x16;
	s3 =	ssub.s32 $0x10, s3;
	p0 =	sgt.s32 s8, $0x7  }
0x7e: {  	s6 =	sshll.u32 s6, $0x8;
	s8 =	sand.u32 s28, s14;
	s28 =	sshll.u32 s13, $0x9  }
0x7f: {  	s3 =	simm.s32 @p0 $0x0;
	p0 =	sgt.s32 s27, $0x0;
	s6 =	ssub.s32 $0x1E00, s6  }
0x80: {  	s1 =	ssub.s32 s1, s8;
	s27 =	rddreg [dreg:$0x1];
	s3 =	smul.u32 s3, s6  }
0x81: {  	s0 =	simm.s32 @p0 $0x0;
	s6 =	sand.u32 $0x800, s29;
	s8 =	sadd.s32 $0xFFFFFFE3, s1  }
0x82: {  	s1 =	ssub.s32 $0x1E, s1;
	p0 =	sgt.s32 s8, $0x0;
	s0 =	smul.u32 s0, s3  }
.Ltmp5:
0x83: {  	s1 =	simm.s32 @p0 $0x0;
	s3 =	sadd.s32 s27, s31;
	(pc) =	sbr.rel .LBB1_7-.Ltmp5, $4  }
0x84: {  	s3 =	sadd.s32 s10, s3;
	s0 =	smul.u32 s1, s0;
	s1 =	sor.u32 s26, s6  }
0x85: {  	s29 =	simm.s32 $0x800;
	s3 =	sadd.s32 s28, s3;
	s1 =	sshrl.u32 s1, $0x3  }
0x86: {  	s31 =	simm.s32 $0x1000;
	s0 =	sand.u32 $0x3FFFFF00, s0;
	s1 =	sadd.s32 s1, s3  }
0x87: {  	[hbm4b:s1+s29] =	stream.strided.scatter [tilespmem:s25], [sflag:$0x2], s0, s31, s29, $0x38;
	[tilespmem:$0x10000] =	vst v63  }
.LBB1_8:
0x88: {  	_ =	sfence.sel $0x180000  }
0x89: {  	s0 =	simm.s32 $0x1;
	[bflag:$0x0] =	sbarrier.arrive $0xFFFF  }
0x8a: {  	s30 =	simm.s32 $0x2;
	[sflag:s0] =	ssyncpa.u1 $0x1  }
0x8b: {  	[sflag:s30] =	ssyncpa.u1 $0x1  }
0x8c: {  	_ =	strace $0x90000047  }
0x8d: {  	s31 =	stileid.u32;
	[bflag:$0x2] =	sbarrier.arrive $0xFFFF  }
0x8e: {  	p0 =	sne.s32 s31, $0x0;
	s0 =	rddreg [dreg:$0x2]  }
0x8f: {  	s0 =	sadd.s32 @!p0 $0x100000, s0  }
0x90: {  	[sflag:s0] =	ssyncadd.tile.s32 @!p0 $0x1;
	_ =	shalt  }
.Lfunc_end1:
_tile_overlayer_lowered:
.L_overlay_start_2:
0x91: {  	(tag) =	ssettag $0x2  }
0x92: {  	s0 =	rddreg [dreg:$0x0];
	s2 =	stileid.u32  }
0x93: {  	s1 =	rddreg [dreg:$0x1];
	p0 =	sne.s32 s2, $0x0  }
0x94: {  	s3 =	rddreg [dreg:$0x2];
	[bflag:$0x3] =	sbarrier.arrive $0xFFFF;
	s2 =	simm.s32 @!p0 $0x1C01  }
0x95: {  	[timem:s3], [sflag:s2] =	dma.local @!p0 [hbm:s0], s1  }
0x96: {  	s0 =	simm.s32 @!p0 $0x1  }
0x97: {  	_ =	swait.ge @!p0 [sflag:s0], s1  }
0x98: {  	s1 =	ssub.s32 @!p0 $0x0, s1;
	[sflag:s0] =	ssyncset.done @!p0 $0x0  }
0x99: {  	[sflag:s0] =	ssyncadd.s32 @!p0 s1  }
0x9a: {  	[bflag:$0x3] =	sbarrier.arrive $0xFFFF  }
0x9b: {  	_ =	shalt  }

</sc_bundles>
